<compile_context>
chip_gen: v7x
topology: tpu7x:2x2x1
jax: 0.10.2.dev20260603
libtpu: 0.0.44.dev20260713+nightly
codegen_flags: <defaults>
</compile_context>

<pallas_src>
import functools

import jax
import jax.numpy as jnp
from jax import lax
from jax.experimental import pallas as pl
from jax.experimental.pallas import tpu as pltpu
from jax.experimental.pallas import tpu_sc as plsc

N_E = 1024
E_DIM = 256
BETA = 0.25
TOK = 8192
BLK = 512
GRID = TOK // BLK

_NC = 2
_NS = 16
_NW = _NC * _NS
_BPW = TOK // _NW


def _dist_body(z_ref, e_ref, d_ref, idx_ref, loss_ref, acc_ref):
    i = pl.program_id(0)
    z = z_ref[...]
    e = e_ref[...]
    zn = jnp.sum(z * z, axis=1, keepdims=True)
    en = jnp.sum(e * e, axis=1)[None, :]
    crossm2 = lax.dot_general(z.astype(jnp.bfloat16) * jnp.bfloat16(-2.0),
                              e.astype(jnp.bfloat16),
                              (((1,), (1,)), ((), ())),
                              preferred_element_type=jnp.float32)
    d = (zn + en) + crossm2
    d_ref[...] = d
    dmin = jnp.min(d, axis=1, keepdims=True)
    col = lax.broadcasted_iota(jnp.int32, d.shape, 1)
    idx = jnp.min(jnp.where(d == dmin, col, N_E), axis=1)
    idx_ref[0, 0, :] = idx

    @pl.when(i == 0)
    def _():
        acc_ref[0] = 0.0

    acc_ref[0] += jnp.sum(dmin[:, 0])
    loss_ref[...] = jnp.full((1, 1), acc_ref[0] * ((1.0 + BETA) / (TOK * E_DIM)),
                             jnp.float32)


_dist_call = pl.pallas_call(
    _dist_body,
    grid=(GRID,),
    in_specs=[
        pl.BlockSpec((BLK, E_DIM), lambda i: (i, 0)),
        pl.BlockSpec((N_E, E_DIM), lambda i: (0, 0)),
    ],
    out_specs=[
        pl.BlockSpec((BLK, N_E), lambda i: (i, 0)),
        pl.BlockSpec((1, 1, BLK), lambda i: (i, 0, 0)),
        pl.BlockSpec((1, 1), lambda i: (0, 0)),
    ],
    out_shape=[
        jax.ShapeDtypeStruct((TOK, N_E), jnp.float32),
        jax.ShapeDtypeStruct((GRID, 1, BLK), jnp.int32),
        jax.ShapeDtypeStruct((1, 1), jnp.float32),
    ],
    scratch_shapes=[pltpu.SMEM((1,), jnp.float32)],
)


_CH = _BPW // 2


def _gather_body(table_hbm, idx_hbm, out_hbm, idx_v, rows0, rows1,
                 semg0, semg1, semw):
    wid = lax.axis_index("s") * _NC + lax.axis_index("c")
    base = wid * _BPW
    pltpu.sync_copy(idx_hbm.at[pl.ds(base, _BPW)], idx_v)
    g0 = pltpu.async_copy(table_hbm.at[idx_v.at[pl.ds(0, _CH)]], rows0, semg0)
    g1 = pltpu.async_copy(table_hbm.at[idx_v.at[pl.ds(_CH, _CH)]], rows1, semg1)
    g0.wait()
    w0 = pltpu.async_copy(rows0, out_hbm.at[pl.ds(base, _CH)], semw)
    g1.wait()
    w1 = pltpu.async_copy(rows1, out_hbm.at[pl.ds(base + _CH, _CH)], semw)
    w0.wait()
    w1.wait()


@functools.cache
def _gather_call():
    return pl.kernel(
        _gather_body,
        out_type=jax.ShapeDtypeStruct((TOK, E_DIM), jnp.float32),
        mesh=plsc.VectorSubcoreMesh(core_axis_name="c", subcore_axis_name="s",
                                    num_cores=_NC, num_subcores=_NS),
        scratch_types=[
            pltpu.VMEM((_BPW,), jnp.int32),
            pltpu.VMEM((_CH, E_DIM), jnp.float32),
            pltpu.VMEM((_CH, E_DIM), jnp.float32),
            pltpu.SemaphoreType.DMA,
            pltpu.SemaphoreType.DMA,
            pltpu.SemaphoreType.DMA,
        ],
    )


def kernel(z, embedding):
    B, C, H, W = z.shape
    z_flat = jnp.transpose(z, (0, 2, 3, 1)).reshape(TOK, E_DIM)
    d, idx3, loss2 = _dist_call(z_flat, embedding)
    idx = idx3.reshape(TOK)
    z_q_flat = _gather_call()(embedding, idx)
    z_q_out = jnp.transpose(z_q_flat.reshape(B, H, W, C), (0, 3, 1, 2))
    return (z_q_out, loss2[0, 0], idx, d.reshape(B, H, W, N_E))

# --- scband reference (transcript-rebuilt; emitter-appended) ---
"""Pipeline reference for scband-vector-quantizer2-34634616275541 (READ-ONLY COPY).

The authoritative reference and input builder live on the scoring server;
editing this copy changes nothing except your own understanding.
"""

import jax, jax.numpy as jnp
import numpy as np

N_E = 1024
E_DIM = 256
BETA = 0.25

def setup_inputs(seed: int = 0) -> dict:
    key = jax.random.key(seed)
    k1, k2 = jax.random.split(key)
    z = jax.random.normal(k1, (8, 256, 32, 32), dtype=jnp.float32)
    # embedding initialized uniform(-1/n_e, 1/n_e) as in the torch module
    embedding = jax.random.uniform(k2, (N_E, E_DIM), dtype=jnp.float32, minval=-1.0 / N_E, maxval=1.0 / N_E)
    return {"z": z, "embedding": embedding}

def reference(z, embedding):
    # z: [B, C, H, W] -> [B, H, W, C]
    z_p = jnp.transpose(z, (0, 2, 3, 1))
    z_flat = z_p.reshape(-1, E_DIM)
    # squared L2 distances to codebook entries: [B*H*W, n_e]
    d = (jnp.sum(z_flat ** 2, axis=1, keepdims=True)
         + jnp.sum(embedding ** 2, axis=1)
         - 2.0 * jnp.einsum('bd,dn->bn', z_flat, embedding.T))
    min_encoding_indices = jnp.argmin(d, axis=1)
    z_q = jnp.take(embedding, min_encoding_indices, axis=0).reshape(z_p.shape)
    loss = (jnp.mean((jax.lax.stop_gradient(z_q) - z_p) ** 2)
            + BETA * jnp.mean((z_q - jax.lax.stop_gradient(z_p)) ** 2))
    # straight-through estimator
    z_q_st = z_p + jax.lax.stop_gradient(z_q - z_p)
    z_q_out = jnp.transpose(z_q_st, (0, 3, 1, 2))
    B, _, H, W = z_q_out.shape
    d_out = d.reshape(B, H, W, N_E)
    return (z_q_out, loss, min_encoding_indices, d_out)

if __name__ == "__main__":
    import jax
    _d = setup_inputs()
    print(jax.jit(kernel)(*tuple(_d.values())))

</pallas_src>

<mosaic_0001>
#map = affine_map<(d0, d1) -> (0, 0)>
#map1 = affine_map<(d0, d1) -> (0)>
module attributes {stable_mosaic.version = 14 : i64} {
  func.func @_gather_body(%arg0: i32, %arg1: i32, %arg2: memref<1024x256xf32, #tpu.memory_space<hbm>>, %arg3: memref<8192xi32, #tpu.memory_space<hbm>>, %arg4: memref<8192x256xf32, #tpu.memory_space<hbm>>, %arg5: memref<256xi32, #tpu.memory_space<vmem>>, %arg6: memref<128x256xf32, #tpu.memory_space<vmem>>, %arg7: memref<128x256xf32, #tpu.memory_space<vmem>>, %arg8: memref<!tpu.dma_semaphore, #tpu.memory_space<semaphore_mem>>, %arg9: memref<!tpu.dma_semaphore, #tpu.memory_space<semaphore_mem>>, %arg10: memref<!tpu.dma_semaphore, #tpu.memory_space<semaphore_mem>>) attributes {dimension_semantics = [#tpu.dimension_semantics<core_parallel>, #tpu.dimension_semantics<subcore_parallel>], iteration_bounds = array<i64: 2, 16>, scalar_prefetch = 0 : i64, scratch_operands = 6 : i64, tpu.core_type = #tpu.core_type<sc_vector_subcore>, window_params = [{transform_indices = #map}, {transform_indices = #map1}, {transform_indices = #map}]} {
    %mul3A = arith.constant 2 : i32
    %mul3A_0 = arith.muli %arg1, %mul3A : i32
    %add3A = arith.addi %mul3A_0, %arg0 : i32
    %mul3A_1 = arith.constant 256 : i32
    %mul3A_2 = arith.muli %add3A, %mul3A_1 : i32
    "tpu.region"() ({
      %run_scoped3A = tpu.sem_alloc : memref<!tpu.dma_semaphore, #tpu.memory_space<semaphore_mem>>
      %dma_start3A_39 = tpu.memref_slice %arg3[%mul3A_2] : memref<8192xi32, #tpu.memory_space<hbm>> -> memref<256xi32, #tpu.memory_space<hbm>>
      %dma_start3A_40 = tpu.memref_slice %arg3[%mul3A_2] : memref<8192xi32, #tpu.memory_space<hbm>> -> memref<256xi32, #tpu.memory_space<hbm>>
      tpu.enqueue_dma source(%dma_start3A_40 : memref<256xi32, #tpu.memory_space<hbm>>) target(%arg5 : memref<256xi32, #tpu.memory_space<vmem>>) target_semaphore(%run_scoped3A : memref<!tpu.dma_semaphore, #tpu.memory_space<semaphore_mem>>)
      %dma_wait3A_41 = tpu.memref_slice %arg3[%mul3A_2] : memref<8192xi32, #tpu.memory_space<hbm>> -> memref<256xi32, #tpu.memory_space<hbm>>
      %dma_wait3A_42 = tpu.memref_slice %arg3[%mul3A_2] : memref<8192xi32, #tpu.memory_space<hbm>> -> memref<256xi32, #tpu.memory_space<hbm>>
      tpu.wait_dma2 semaphore(%run_scoped3A : memref<!tpu.dma_semaphore, #tpu.memory_space<semaphore_mem>>) src(%dma_wait3A_42 : memref<256xi32, #tpu.memory_space<hbm>>) dst(%arg5 : memref<256xi32, #tpu.memory_space<vmem>>)
      tpu.yield
    }) : () -> ()
    %dma_start3A = arith.constant 0 : i32
    %dma_start3A_3 = tpu.memref_slice %arg5[%dma_start3A] : memref<256xi32, #tpu.memory_space<vmem>> -> memref<128xi32, #tpu.memory_space<vmem>>
    %dma_start3A_4 = arith.constant 0 : i32
    %dma_start3A_5 = arith.constant 0 : i32
    %dma_start3A_6 = tpu.memref_slice %arg2[%dma_start3A_4, %dma_start3A_5] : memref<1024x256xf32, #tpu.memory_space<hbm>> -> memref<1024x256xf32, #tpu.memory_space<hbm>>
    tpu.enqueue_indirect_dma source(%dma_start3A_6 : memref<1024x256xf32, #tpu.memory_space<hbm>>) target(%arg6 : memref<128x256xf32, #tpu.memory_space<vmem>>) offsets(%dma_start3A_3 : memref<128xi32, #tpu.memory_space<vmem>>) semaphore(%arg8 : memref<!tpu.dma_semaphore, #tpu.memory_space<semaphore_mem>>)
    %dma_start3A_7 = arith.constant 128 : i32
    %dma_start3A_8 = tpu.memref_slice %arg5[%dma_start3A_7] : memref<256xi32, #tpu.memory_space<vmem>> -> memref<128xi32, #tpu.memory_space<vmem>>
    %dma_start3A_9 = arith.constant 0 : i32
    %dma_start3A_10 = arith.constant 0 : i32
    %dma_start3A_11 = tpu.memref_slice %arg2[%dma_start3A_9, %dma_start3A_10] : memref<1024x256xf32, #tpu.memory_space<hbm>> -> memref<1024x256xf32, #tpu.memory_space<hbm>>
    tpu.enqueue_indirect_dma source(%dma_start3A_11 : memref<1024x256xf32, #tpu.memory_space<hbm>>) target(%arg7 : memref<128x256xf32, #tpu.memory_space<vmem>>) offsets(%dma_start3A_8 : memref<128xi32, #tpu.memory_space<vmem>>) semaphore(%arg9 : memref<!tpu.dma_semaphore, #tpu.memory_space<semaphore_mem>>)
    %dma_wait3A = arith.constant 0 : i32
    %dma_wait3A_12 = tpu.memref_slice %arg5[%dma_wait3A] : memref<256xi32, #tpu.memory_space<vmem>> -> memref<128xi32, #tpu.memory_space<vmem>>
    %dma_wait3A_13 = arith.constant 0 : i32
    %dma_wait3A_14 = arith.constant 0 : i32
    %dma_wait3A_15 = tpu.memref_slice %arg2[%dma_wait3A_13, %dma_wait3A_14] : memref<1024x256xf32, #tpu.memory_space<hbm>> -> memref<1024x256xf32, #tpu.memory_space<hbm>>
    tpu.wait_indirect_dma semaphore(%arg8 : memref<!tpu.dma_semaphore, #tpu.memory_space<semaphore_mem>>) src(%dma_wait3A_15 : memref<1024x256xf32, #tpu.memory_space<hbm>>) dst(%arg6 : memref<128x256xf32, #tpu.memory_space<vmem>>)
    %dma_start3A_16 = arith.constant 0 : i32
    %dma_start3A_17 = tpu.memref_slice %arg4[%mul3A_2, %dma_start3A_16] : memref<8192x256xf32, #tpu.memory_space<hbm>> -> memref<128x256xf32, #tpu.memory_space<hbm>>
    %dma_start3A_18 = arith.constant 0 : i32
    %dma_start3A_19 = tpu.memref_slice %arg4[%mul3A_2, %dma_start3A_18] : memref<8192x256xf32, #tpu.memory_space<hbm>> -> memref<128x256xf32, #tpu.memory_space<hbm>>
    tpu.enqueue_dma source(%arg6 : memref<128x256xf32, #tpu.memory_space<vmem>>) target(%dma_start3A_19 : memref<128x256xf32, #tpu.memory_space<hbm>>) target_semaphore(%arg10 : memref<!tpu.dma_semaphore, #tpu.memory_space<semaphore_mem>>)
    %dma_wait3A_20 = arith.constant 128 : i32
    %dma_wait3A_21 = tpu.memref_slice %arg5[%dma_wait3A_20] : memref<256xi32, #tpu.memory_space<vmem>> -> memref<128xi32, #tpu.memory_space<vmem>>
    %dma_wait3A_22 = arith.constant 0 : i32
    %dma_wait3A_23 = arith.constant 0 : i32
    %dma_wait3A_24 = tpu.memref_slice %arg2[%dma_wait3A_22, %dma_wait3A_23] : memref<1024x256xf32, #tpu.memory_space<hbm>> -> memref<1024x256xf32, #tpu.memory_space<hbm>>
    tpu.wait_indirect_dma semaphore(%arg9 : memref<!tpu.dma_semaphore, #tpu.memory_space<semaphore_mem>>) src(%dma_wait3A_24 : memref<1024x256xf32, #tpu.memory_space<hbm>>) dst(%arg7 : memref<128x256xf32, #tpu.memory_space<vmem>>)
    %add3A_25 = arith.constant 128 : i32
    %add3A_26 = arith.addi %mul3A_2, %add3A_25 : i32
    %dma_start3A_27 = arith.constant 0 : i32
    %dma_start3A_28 = tpu.memref_slice %arg4[%add3A_26, %dma_start3A_27] : memref<8192x256xf32, #tpu.memory_space<hbm>> -> memref<128x256xf32, #tpu.memory_space<hbm>>
    %dma_start3A_29 = arith.constant 0 : i32
    %dma_start3A_30 = tpu.memref_slice %arg4[%add3A_26, %dma_start3A_29] : memref<8192x256xf32, #tpu.memory_space<hbm>> -> memref<128x256xf32, #tpu.memory_space<hbm>>
    tpu.enqueue_dma source(%arg7 : memref<128x256xf32, #tpu.memory_space<vmem>>) target(%dma_start3A_30 : memref<128x256xf32, #tpu.memory_space<hbm>>) target_semaphore(%arg10 : memref<!tpu.dma_semaphore, #tpu.memory_space<semaphore_mem>>)
    %dma_wait3A_31 = arith.constant 0 : i32
    %dma_wait3A_32 = tpu.memref_slice %arg4[%mul3A_2, %dma_wait3A_31] : memref<8192x256xf32, #tpu.memory_space<hbm>> -> memref<128x256xf32, #tpu.memory_space<hbm>>
    %dma_wait3A_33 = arith.constant 0 : i32
    %dma_wait3A_34 = tpu.memref_slice %arg4[%mul3A_2, %dma_wait3A_33] : memref<8192x256xf32, #tpu.memory_space<hbm>> -> memref<128x256xf32, #tpu.memory_space<hbm>>
    tpu.wait_dma2 semaphore(%arg10 : memref<!tpu.dma_semaphore, #tpu.memory_space<semaphore_mem>>) src(%arg6 : memref<128x256xf32, #tpu.memory_space<vmem>>) dst(%dma_wait3A_34 : memref<128x256xf32, #tpu.memory_space<hbm>>)
    %dma_wait3A_35 = arith.constant 0 : i32
    %dma_wait3A_36 = tpu.memref_slice %arg4[%add3A_26, %dma_wait3A_35] : memref<8192x256xf32, #tpu.memory_space<hbm>> -> memref<128x256xf32, #tpu.memory_space<hbm>>
    %dma_wait3A_37 = arith.constant 0 : i32
    %dma_wait3A_38 = tpu.memref_slice %arg4[%add3A_26, %dma_wait3A_37] : memref<8192x256xf32, #tpu.memory_space<hbm>> -> memref<128x256xf32, #tpu.memory_space<hbm>>
    tpu.wait_dma2 semaphore(%arg10 : memref<!tpu.dma_semaphore, #tpu.memory_space<semaphore_mem>>) src(%arg7 : memref<128x256xf32, #tpu.memory_space<vmem>>) dst(%dma_wait3A_38 : memref<128x256xf32, #tpu.memory_space<hbm>>)
    return
  }
}

module attributes {stable_mosaic.version = 14 : i64} {
  func.func @_dist_body(%arg0: i32, %arg1: memref<512x256xf32, #tpu.memory_space<vmem>>, %arg2: memref<1024x256xf32, #tpu.memory_space<vmem>>, %arg3: memref<512x1024xf32, #tpu.memory_space<vmem>>, %arg4: memref<1x1x512xi32, #tpu.memory_space<vmem>>, %arg5: memref<1x1xf32, #tpu.memory_space<vmem>>, %arg6: memref<1xf32, #tpu.memory_space<smem>>) attributes {dimension_semantics = [#tpu.dimension_semantics<arbitrary>], iteration_bounds = array<i64: 16>, scalar_prefetch = 0 : i64, scratch_operands = 1 : i64, tpu.core_type = #tpu.core_type<tc>, window_params = [{transform_indices = @transform_0, window_bounds = array<i64: 512, 256>}, {pipeline_mode = #tpu.pipeline_mode<synchronous>, transform_indices = @transform_1, window_bounds = array<i64: 1024, 256>}, {transform_indices = @transform_2, window_bounds = array<i64: 512, 1024>}, {transform_indices = @transform_3, window_bounds = array<i64: 1, 1, 512>}, {pipeline_mode = #tpu.pipeline_mode<synchronous>, transform_indices = @transform_4, window_bounds = array<i64: 1, 1>}]} {
    %get3A = arith.constant 0 : index
    %get3A_0 = arith.constant 0 : index
    %get3A_1 = vector.load %arg1[%get3A, %get3A_0] : memref<512x256xf32, #tpu.memory_space<vmem>>, vector<512x256xf32>
    %get3A_2 = arith.constant 0 : index
    %get3A_3 = arith.constant 0 : index
    %get3A_4 = vector.load %arg2[%get3A_2, %get3A_3] : memref<1024x256xf32, #tpu.memory_space<vmem>>, vector<1024x256xf32>
    %mul3A = arith.mulf %get3A_1, %get3A_1 : vector<512x256xf32>
    %reduce_sum3A = arith.constant dense<0.000000e+00> : vector<512xf32>
    %reduce_sum3A_5 = vector.multi_reduction <add>, %mul3A, %reduce_sum3A [1] : vector<512x256xf32> to vector<512xf32>
    %broadcast_in_dim3A = vector.shape_cast %reduce_sum3A_5 : vector<512xf32> to vector<512x1xf32>
    %mul3A_6 = arith.mulf %get3A_4, %get3A_4 : vector<1024x256xf32>
    %reduce_sum3A_7 = arith.constant dense<0.000000e+00> : vector<1024xf32>
    %reduce_sum3A_8 = vector.multi_reduction <add>, %mul3A_6, %reduce_sum3A_7 [1] : vector<1024x256xf32> to vector<1024xf32>
    %broadcast_in_dim3A_9 = vector.shape_cast %reduce_sum3A_8 : vector<1024xf32> to vector<1x1024xf32>
    %convert_element_type3A = arith.truncf %get3A_1 : vector<512x256xf32> to vector<512x256xbf16>
    %mul3A_10 = arith.constant -2.000000e+00 : bf16
    %mul3A_11 = vector.broadcast %mul3A_10 : bf16 to vector<512x256xbf16>
    %mul3A_12 = arith.mulf %convert_element_type3A, %mul3A_11 : vector<512x256xbf16>
    %convert_element_type3A_13 = arith.truncf %get3A_4 : vector<1024x256xf32> to vector<1024x256xbf16>
    %dot_general3A = arith.constant dense<0.000000e+00> : vector<512x1024xf32>
    %dot_general3A_14 = tpu.matmul %mul3A_12, %convert_element_type3A_13, %dot_general3A {dimension_numbers = #tpu.dot_dimension_numbers<[1], [1], [0], [0], [0, 0, 1, 0], [], []>, transpose_lhs_hint = false} : vector<512x256xbf16>, vector<1024x256xbf16>, vector<512x1024xf32> -> vector<512x1024xf32>
    %add3A = vector.broadcast %broadcast_in_dim3A : vector<512x1xf32> to vector<512x1024xf32>
    %add3A_15 = vector.broadcast %broadcast_in_dim3A_9 : vector<1x1024xf32> to vector<512x1024xf32>
    %add3A_16 = arith.addf %add3A, %add3A_15 : vector<512x1024xf32>
    %add3A_17 = arith.addf %add3A_16, %dot_general3A_14 : vector<512x1024xf32>
    %swap3A = arith.constant 0 : index
    %swap3A_18 = arith.constant 0 : index
    %swap3A_19 = vector.load %arg3[%swap3A, %swap3A_18] : memref<512x1024xf32, #tpu.memory_space<vmem>>, vector<512x1024xf32>
    tpu.vector_store %arg3[%swap3A, %swap3A_18], %add3A_17 {strides = array<i32>} : memref<512x1024xf32, #tpu.memory_space<vmem>>, vector<512x1024xf32>,
    %reduce_min3A = arith.constant dense<0x7F800000> : vector<512xf32>
    %reduce_min3A_20 = vector.multi_reduction <minimumf>, %add3A_17, %reduce_min3A [1] : vector<512x1024xf32> to vector<512xf32>
    %broadcast_in_dim3A_21 = vector.shape_cast %reduce_min3A_20 : vector<512xf32> to vector<512x1xf32>
    %iota3A = tpu.iota {dimensions = array<i32: 1>} : vector<512x1024xi32>
    %eq3A = vector.broadcast %broadcast_in_dim3A_21 : vector<512x1xf32> to vector<512x1024xf32>
    %eq3A_22 = arith.cmpf oeq, %add3A_17, %eq3A : vector<512x1024xf32>
    %jit3A = arith.constant 1024 : i32
    %broadcast_in_dim3A_23 = vector.broadcast %jit3A : i32 to vector<512x1024xi32>
    %select_n3A = arith.select %eq3A_22, %iota3A, %broadcast_in_dim3A_23 : vector<512x1024xi1>, vector<512x1024xi32>
    %reduce_min3A_24 = arith.constant dense<2147483647> : vector<512xi32>
    %reduce_min3A_25 = vector.multi_reduction <minsi>, %select_n3A, %reduce_min3A_24 [1] : vector<512x1024xi32> to vector<512xi32>
    %swap3A_26 = arith.constant 0 : index
    %swap3A_27 = arith.constant 0 : index
    %swap3A_28 = arith.constant 0 : index
    %swap3A_29 = vector.load %arg4[%swap3A_26, %swap3A_27, %swap3A_28] : memref<1x1x512xi32, #tpu.memory_space<vmem>>, vector<1x1x512xi32>
    %swap3A_30 = vector.shape_cast %swap3A_29 : vector<1x1x512xi32> to vector<512xi32>
    %swap3A_31 = vector.shape_cast %reduce_min3A_25 : vector<512xi32> to vector<1x1x512xi32>
    tpu.vector_store %arg4[%swap3A_26, %swap3A_27, %swap3A_28], %swap3A_31 {strides = array<i32>} : memref<1x1x512xi32, #tpu.memory_space<vmem>>, vector<1x1x512xi32>,
    %eq3A_32 = arith.constant 0 : i32
    %eq3A_33 = arith.cmpi eq, %arg0, %eq3A_32 : i32
    %convert_element_type3A_34 = arith.extui %eq3A_33 : i1 to i32
    %cond3A = arith.constant 0 : i32
    %cond3A_35 = arith.cmpi ne, %convert_element_type3A_34, %cond3A : i32
    scf.if %cond3A_35 {
      %swap3A_54 = arith.constant 0.000000e+00 : f32
      %swap3A_55 = arith.constant 0 : index
      %swap3A_56 = memref.load %arg6[%swap3A_55] : memref<1xf32, #tpu.memory_space<smem>>
      memref.store %swap3A_54, %arg6[%swap3A_55] : memref<1xf32, #tpu.memory_space<smem>>
    } else {
    }
    %get3A_36 = arith.constant 0 : index
    %get3A_37 = memref.load %arg6[%get3A_36] : memref<1xf32, #tpu.memory_space<smem>>
    %squeeze3A = vector.shape_cast %broadcast_in_dim3A_21 : vector<512x1xf32> to vector<512xf32>
    %reduce_sum3A_38 = vector.shape_cast %squeeze3A : vector<512xf32> to vector<1x512xf32>
    %reduce_sum3A_39 = arith.constant dense<0.000000e+00> : vector<1xf32>
    %reduce_sum3A_40 = vector.multi_reduction <add>, %reduce_sum3A_38, %reduce_sum3A_39 [1] : vector<1x512xf32> to vector<1xf32>
    %reduce_sum3A_41 = vector.shape_cast %reduce_sum3A_40 : vector<1xf32> to vector<1x1xf32>
    %reduce_sum3A_42 = vector.extract %reduce_sum3A_41[0, 0] : f32 from vector<1x1xf32>
    %add3A_43 = arith.addf %get3A_37, %reduce_sum3A_42 : f32
    %swap3A_44 = arith.constant 0 : index
    %swap3A_45 = memref.load %arg6[%swap3A_44] : memref<1xf32, #tpu.memory_space<smem>>
    memref.store %add3A_43, %arg6[%swap3A_44] : memref<1xf32, #tpu.memory_space<smem>>
    %get3A_46 = arith.constant 0 : index
    %get3A_47 = memref.load %arg6[%get3A_46] : memref<1xf32, #tpu.memory_space<smem>>
    %mul3A_48 = arith.constant 5.96046448E-7 : f32
    %mul3A_49 = arith.mulf %get3A_47, %mul3A_48 : f32
    %broadcast_in_dim3A_50 = vector.broadcast %mul3A_49 : f32 to vector<1x1xf32>
    %swap3A_51 = arith.constant 0 : index
    %swap3A_52 = arith.constant 0 : index
    %swap3A_53 = vector.load %arg5[%swap3A_51, %swap3A_52] : memref<1x1xf32, #tpu.memory_space<vmem>>, vector<1x1xf32>
    tpu.vector_store %arg5[%swap3A_51, %swap3A_52], %broadcast_in_dim3A_50 {strides = array<i32>} : memref<1x1xf32, #tpu.memory_space<vmem>>, vector<1x1xf32>,
    return
  }
  func.func @transform_0(%arg0: i32) -> (i32, i32) {
    %c0_i32 = arith.constant 0 : i32
    %c0_i32_0 = arith.constant 0 : i32
    return %arg0, %c0_i32 : i32, i32
  }
  func.func @transform_1(%arg0: i32) -> (i32, i32) {
    %c0_i32 = arith.constant 0 : i32
    %c0_i32_0 = arith.constant 0 : i32
    %c0_i32_1 = arith.constant 0 : i32
    return %c0_i32, %c0_i32_0 : i32, i32
  }
  func.func @transform_2(%arg0: i32) -> (i32, i32) {
    %c0_i32 = arith.constant 0 : i32
    %c0_i32_0 = arith.constant 0 : i32
    return %arg0, %c0_i32 : i32, i32
  }
  func.func @transform_3(%arg0: i32) -> (i32, i32, i32) {
    %c0_i32 = arith.constant 0 : i32
    %c0_i32_0 = arith.constant 0 : i32
    %c0_i32_1 = arith.constant 0 : i32
    return %arg0, %c0_i32, %c0_i32_0 : i32, i32, i32
  }
  func.func @transform_4(%arg0: i32) -> (i32, i32) {
    %c0_i32 = arith.constant 0 : i32
    %c0_i32_0 = arith.constant 0 : i32
    %c0_i32_1 = arith.constant 0 : i32
    return %c0_i32, %c0_i32_0 : i32, i32
  }
}

</mosaic_0001>

<sc_bundles>
// kernel: kernel.4.cloned.1.call-start
scs
__scs_entry_jumppad:
0x0: {  	(pc) =	sbr.rel $0x88, $3  }
0x1: {  	(tag) =	ssettag $0x0;
	lr =	simm.s32 $0x1  }
0x2: {  	[smem:$0x3F9F] =	sst lr;
	_ =	strace $0xD0000000  }
0x3: {  	_ = 	snop  }
0x4: {  	_ = 	snop  }
0x5: {  	_ = 	snop  }
0x6: {  	_ = 	snop  }
0x7: {  	_ = 	snop  }
__scs_overlays_trampoline_lowered:
0x8: {  	[smem:$0x3FAE] =	sst s0  }
0x9: {  	[smem:$0x3FAF] =	sst s1  }
0xa: {  	[smem:$0x3FB0] =	sst s2  }
0xb: {  	[smem:$0x3FB1] =	sst s3  }
0xc: {  	[smem:$0x3FB2] =	sst s4  }
0xd: {  	[smem:$0x3FB3] =	sst s5  }
0xe: {  	[smem:$0x3FB4] =	sst s6  }
0xf: {  	[smem:$0x3FB5] =	sst s7  }
0x10: {  	[smem:$0x3FB6] =	sst s8  }
0x11: {  	[smem:$0x3FB7] =	sst s9;
	s0 =	simm.s32 @!p0 $0x0  }
0x12: {  	s1 =	sld [smem:$0x3F9D];
	s0 =	simm.s32 @p0 $0x1  }
0x13: {  	[smem:$0x3FB8] =	sst s0;
	s0 =	simm.s32 @!p1 $0x0  }
0x14: {  	s2 =	sld [smem:$0x3F9C];
	s0 =	simm.s32 @p1 $0x1  }
0x15: {  	[smem:$0x3FB9] =	sst s0;
	s0 =	simm.s32 @!p2 $0x0  }
0x16: {  	s3 =	sld [smem:$0x3FDB];
	s0 =	simm.s32 @p2 $0x1  }
0x17: {  	s4 =	simm.s32 $0x1BF5;
	[smem:$0x3FBB] =	sst s0  }
0x18: {  	s0 =	sld [smem:$0x3F9E];
	_ =	swait.ge [sflag:s4], $0x0  }
0x19: {  	s7 =	sld [smem:$0x3F9F]  }
0x1a: {  	s8 =	sadd.s32 $0xFFFFE003, lr  }
0x1b: {  	s9 =	sadd.s32 $0xFFFFFEF7, lr;
	s5 =	simm.s32 $0xFFFFFFFF;
	p2 =	slt.u32 s8, $0xFFFFF086  }
0x1c: {  	p1 =	slt.u32 s9, $0xF7A;
	s5 =	simm.s32 @!p2 $0x0  }
0x1d: {  	s5 =	simm.s32 @p1 $0x1;
	p0 =	seq.s32 s7, s2  }
0x1e: {  	s7 =	smul.u32 @!p0 $0xF7A, s2;
	p2 =	seq.s32 @!p0 s5, $0x0  }
0x1f: {  	s9 =	smul.u32 $0xF7A, s1;
	s8 =	simm.s32 @!p0 $0x1BF5;
	p2 =	por !p2, p0  }
0x20: {  	[sflag:s8] =	ssyncset.s32 @!p0 $0xFFFFF086;
	s6 =	sadd.s32 @!p0 s3, s7;
	s7 =	simm.s32 @!p0 $0x108  }
0x21: {  	s3 =	sadd.s32 s3, s9;
	s6 =	sadd.s32 @!p0 $0x88, s6;
	s7 =	simm.s32 @p2 $0x1082  }
0x22: {  	[simem:s7], [sflag:s8] =	dma.local @!p0 [hbm:s6], $0xF7A  }
0x23: {  	s9 =	sor.u32 $0xD0000000, s2;
	s6 =	simm.s32 $0x108;
	_ =	swait.ge @!p0 [sflag:s8], $0x0  }
0x24: {  	s3 =	sadd.s32 $0x88, s3;
	s6 =	simm.s32 @!p1 $0x1082;
	[sflag:s4] =	ssyncset.s32 $0xFFFFF086  }
0x25: {  	[simem:s6], [sflag:s4] =	dma.local [hbm:s3], $0xF7A  }
0x26: {  	[smem:$0x3F9F] =	sst s1;
	(tag) =	ssettag s2;
	_ =	strace s9  }
0x27: {  	s1 =	sld [smem:$0x3FAF]  }
0x28: {  	s2 =	sld [smem:$0x3FB0]  }
0x29: {  	s4 =	sld [smem:$0x3FB2]  }
0x2a: {  	p0 =	seq.s32 s5, $0x0;
	s5 =	sld [smem:$0x3FB3]  }
0x2b: {  	s6 =	sld [smem:$0x3FB4]  }
0x2c: {  	s7 =	sld [smem:$0x3FB5]  }
0x2d: {  	s3 =	simm.s32 $0x108;
	s8 =	sld [smem:$0x3FB6]  }
0x2e: {  	s3 =	simm.s32 @!p0 $0x1082;
	s9 =	sld [smem:$0x3FB7]  }
0x2f: {  	lr =	sadd.s32 s0, s3;
	s0 =	sld [smem:$0x3FAE]  }
0x30: {  	s3 =	sld [smem:$0x3FB1]  }
0x31: {  	[smem:$0x3FBA] =	sst s10  }
0x32: {  	s10 =	sld [smem:$0x3FB8];
	_ =	sdelay $0x3  }
0x33: {  	p0 =	seq.s32 s10, $0x1;
	s10 =	sld [smem:$0x3FBA];
	_ =	sdelay $0x3  }
0x34: {  	[smem:$0x3FBA] =	sst s10  }
0x35: {  	s10 =	sld [smem:$0x3FB9];
	_ =	sdelay $0x3  }
0x36: {  	p1 =	seq.s32 s10, $0x1;
	s10 =	sld [smem:$0x3FBA];
	_ =	sdelay $0x3  }
0x37: {  	[smem:$0x3FBA] =	sst s10  }
0x38: {  	s10 =	sld [smem:$0x3FBB]  }
0x39: {  	_ = 	snop;
	(pc) =	sbr.ind lr, $3  }
0x3a: {  	_ = 	snop  }
0x3b: {  	_ = 	snop  }
0x3c: {  	p2 =	seq.s32 s10, $0x1;
	s10 =	sld [smem:$0x3FBA]  }
0x3d: {  	_ =	shalt  }
0x3e: {  	_ =	shalt  }
0x3f: {  	_ =	shalt  }
0x40: {  	_ =	shalt  }
0x41: {  	_ =	shalt  }
0x42: {  	_ =	shalt  }
0x43: {  	_ =	shalt  }
0x44: {  	_ =	shalt  }
0x45: {  	_ =	shalt  }
0x46: {  	_ =	shalt  }
0x47: {  	_ =	shalt  }
0x48: {  	_ =	shalt  }
0x49: {  	_ =	shalt  }
0x4a: {  	_ =	shalt  }
0x4b: {  	_ =	shalt  }
0x4c: {  	_ =	shalt  }
0x4d: {  	_ =	shalt  }
0x4e: {  	_ =	shalt  }
0x4f: {  	_ =	shalt  }
0x50: {  	_ =	shalt  }
0x51: {  	_ =	shalt  }
0x52: {  	_ =	shalt  }
0x53: {  	_ =	shalt  }
0x54: {  	_ =	shalt  }
0x55: {  	_ =	shalt  }
0x56: {  	_ =	shalt  }
0x57: {  	_ =	shalt  }
0x58: {  	_ =	shalt  }
0x59: {  	_ =	shalt  }
0x5a: {  	_ =	shalt  }
0x5b: {  	_ =	shalt  }
0x5c: {  	_ =	shalt  }
0x5d: {  	_ =	shalt  }
0x5e: {  	_ =	shalt  }
0x5f: {  	_ =	shalt  }
0x60: {  	_ =	shalt  }
0x61: {  	_ =	shalt  }
0x62: {  	_ =	shalt  }
0x63: {  	_ =	shalt  }
0x64: {  	_ =	shalt  }
0x65: {  	_ =	shalt  }
0x66: {  	_ =	shalt  }
0x67: {  	_ =	shalt  }
0x68: {  	_ =	shalt  }
0x69: {  	_ =	shalt  }
0x6a: {  	_ =	shalt  }
0x6b: {  	_ =	shalt  }
0x6c: {  	_ =	shalt  }
0x6d: {  	_ =	shalt  }
0x6e: {  	_ =	shalt  }
0x6f: {  	_ =	shalt  }
0x70: {  	_ =	shalt  }
0x71: {  	_ =	shalt  }
0x72: {  	_ =	shalt  }
0x73: {  	_ =	shalt  }
0x74: {  	_ =	shalt  }
0x75: {  	_ =	shalt  }
0x76: {  	_ =	shalt  }
0x77: {  	_ =	shalt  }
0x78: {  	_ =	shalt  }
0x79: {  	_ =	shalt  }
0x7a: {  	_ =	shalt  }
0x7b: {  	_ =	shalt  }
0x7c: {  	_ =	shalt  }
0x7d: {  	_ =	shalt  }
0x7e: {  	_ =	shalt  }
0x7f: {  	_ =	shalt  }
0x80: {  	_ =	shalt  }
0x81: {  	_ =	shalt  }
0x82: {  	_ =	shalt  }
0x83: {  	_ =	shalt  }
0x84: {  	_ =	shalt  }
0x85: {  	_ =	shalt  }
0x86: {  	_ =	shalt  }
0x87: {  	_ =	shalt  }
.Lfunc_end0:
.L_simem_size_0:
called_computation_lowered:
.L_overlay_start_0:
0x88: {  	s2 =	sld [smem:$0x3FD9]  }
0x89: {  	s3 =	sld [smem:$0x3FFE];
	_ =	sdelay $0x1  }
0x8a: {  	s1 =	srdreg.scid  }
0x8b: {  	s0 =	sand.u32 $0x1, s1  }
0x8c: {  	s15 =	sshll.u32 s0, $0xA;
	s2 =	sadd.s32 s3, s2  }
0x8d: {  	s2 =	sadd.s32 s2, s15  }
0x8e: {  	[smem:$0x3FC6] =	sst s2  }
0x8f: {  	_ = 	snop  }
0x90: {  	s2 =	sld [smem:$0x3FD0];
	_ =	sdelay $0x2  }
0x91: {  	s4 =	simm.s32 $0xA;
	s5 =	simm.s32 $0x10;
	s16 =	sld [smem:$0x3FC8]  }
0x92: {  	[smem:s5], [sflag:s4] =	dma.local [hbm:s2], $0x1  }
0x93: {  	_ =	swait.eq [sflag:s4], $0x1  }
0x94: {  	[sflag:s4] =	ssyncset.done $0x0  }
0x95: {  	s17 =	sld [smem:$0x10];
	[sflag:s4] =	ssyncadd.s32 $0xFFFFFFFF  }
0x96: {  	s18 =	sld [smem:$0x12];
	(tm) =	ssettm $0x1  }
0x97: {  	s19 =	sld [smem:$0x3FFB];
	_ =	sdelay $0x3  }
0x98: {  	_ =	strace s19  }
0x99: {  	s5 =	sld [smem:$0x3FFC];
	_ =	sdelay $0x3  }
0x9a: {  	_ =	strace s5  }
0x9b: {  	s5 =	sld [smem:$0x3FFD];
	_ =	sdelay $0x3  }
0x9c: {  	_ =	strace s5  }
0x9d: {  	_ =	strace $0x8FFFFFFF  }
0x9e: {  	s20 =	sld [smem:$0x3FDB];
	_ =	sdelay $0x1  }
0x9f: {  	s6 =	simm.s32 $_scs_section_size  }
0xa0: {  	s7 =	simm.s32 $_size__tile_overlayer_lowered;
	s8 =	simm.s32 $_tile_overlayer_lowered  }
0xa1: {  	s23 =	simm.s32 $0x1BFF;
	s22 =	sshll.u32 s8, $0x1;
	s5 =	sadd.s32 s6, s20  }
0xa2: {  	s9 =	simm.s32 $0x0;
	s21 =	sshll.u32 s7, $0x1;
	s7 =	sadd.s32 s22, s5  }
0xa3: {  	[timem:s9], [sflag:s23] =	dma.local [hbm:s7], s21  }
0xa4: {  	_ =	swait.ge [sflag:s23], s21  }
0xa5: {  	s6 =	ssub.s32 $0x0, s21;
	[sflag:s23] =	ssyncset.done $0x0  }
0xa6: {  	[sflag:s23] =	ssyncadd.s32 s6;
	_ =	sdelay $0x1  }
0xa7: {  	s24 =	simm.s32 $0x1B8B  }
0xa8: {  	_ =	swait.ge [sflag:s24], $0x1  }
0xa9: {  	[sflag:s24] =	ssyncset.done $0x0  }
0xaa: {  	s25 =	simm.s32 $0x1B8E;
	[sflag:s24] =	ssyncadd.s32 $0xFFFFFFFF  }
0xab: {  	s26 =	simm.s32 $execute0_lowered;
	[smem:$0x3FD2] =	sst s25  }
0xac: {  	s6 =	sshll.u32 s26, $0x1;
	_ =	strace $0x80000046;
	[dreg:$0x1] =	wrdreg $0xFFFFFFFF  }
0xad: {  	s28 =	simm.s32 $_size_execute0_lowered;
	s5 =	sadd.s32 s5, s6;
	[dreg:$0x0] =	wrdreg $0x0  }
0xae: {  	s6 =	sshll.u32 s28, $0x1;
	[dreg:$0x2] =	wrdreg s5  }
0xaf: {  	[dreg:$0x3] =	wrdreg s6  }
0xb0: {  	[dreg:$0x4] =	wrdreg $0xC0  }
0xb1: {  	_ =	task [dreg:s9], $0x5FFFF  }
0xb2: {  	[dreg:$0x1] =	wrdreg $0xFFFFFFFF  }
0xb3: {  	[dreg:$0x0] =	wrdreg $0x60  }
0xb4: {  	[dreg:$0x2] =	wrdreg s16  }
0xb5: {  	[dreg:$0x3] =	wrdreg s18  }
0xb6: {  	[dreg:$0x4] =	wrdreg s17  }
0xb7: {  	[dreg:$0x5] =	wrdreg $0x9  }
0xb8: {  	_ =	task.clear_ibuf [dreg:s9], $0x6FFFF;
	_ =	strace $0x90000046  }
0xb9: {  	s29 =	simm.s32 $0x9;
	_ =	strace $0x80000048  }
0xba: {  	_ =	swait.ge [sflag:s29], $0x1  }
0xbb: {  	[sflag:s29] =	ssyncadd.s32 $0xFFFFFFFF  }
0xbc: {  	_ =	strace $0x90000048  }
0xbd: {  	_ =	sfence  }
0xbe: {  	s30 =	sld [smem:$0x0];
	_ =	sdelay $0x2  }
0xbf: {  	s31 =	sshll.u32 s1, $0xD;
	s1 =	sshrl.u32 s1, $0x2  }
0xc0: {  	s3 =	sand.u32 $0x4000, s31;
	s1 =	sadd.s32 s1, s30  }
0xc1: {  	s0 =	sor.u32 s3, s0;
	s1 =	sshll.u32 s1, $0x11  }
0xc2: {  	s0 =	sor.u32 s1, s0  }
0xc3: {  	s0 =	sadd.s32 $0x8F2B, s0  }
0xc4: {  	[sflag:s0] =	ssyncadd.remote.s32 $0x1  }
0xc5: {  	_ =	sfence.sel $0xFFFF  }
0xc6: {  	[dreg:$0x0] =	wrdreg $0xFFFFFFFF;
	(pc) =	sbr.abs _section_cstart, $3  }
0xc7: {  	[dreg:$0x1] =	wrdreg $0xFFFFFFFF  }
0xc8: {  	_ =	task.clear_ibuf [dreg:s9], $0x2FFFF;
	_ =	strace $0x9FFFFFFF  }
0xc9: {  	(tm) =	ssettm $0x7FFFFFFF  }
tec
execute0_lowered:
.L_overlay_start_1:
0x0: {  	(tag) =	ssettag $0x1  }
0x1: {  	s1 =	rddreg [dreg:$0x0]  }
0x2: {  	s2 =	srdreg.scid;
	s4 =	rddreg [dreg:$0x1]  }
0x3: {  	s0 =	stileid.u32;
	s5 =	rddreg [dreg:$0x2]  }
0x4: {  	s3 =	simm.s32 $0x0;
	s16 =	simm.s32 $0x900;
	s17 =	simm.s32 $0x1100  }
0x5: {  	s18 =	simm.s32 $0x1900;
	s19 =	simm.s32 $0x2100;
	s20 =	simm.s32 $0x2900  }
0x6: {  	s21 =	simm.s32 $0x3100;
	s22 =	simm.s32 $0x3900;
	[smem:$0x7FF] =	sst s3  }
0x7: {  	s24 =	simm.s32 $0x4100;
	_ =	strace $0x80000047;
	[dreg:$0x6] =	wrdreg s16  }
0x8: {  	s25 =	simm.s32 $0x4900;
	s26 =	simm.s32 $0x5100;
	[dreg:$0x7] =	wrdreg s17  }
0x9: {  	s9 =	simm.s32 $0x6100;
	s10 =	simm.s32 $0x6900;
	[dreg:$0x8] =	wrdreg s18  }
0xa: {  	s11 =	simm.s32 $0x7100;
	s12 =	simm.s32 $0x7900;
	[dreg:$0x9] =	wrdreg s19  }
0xb: {  	s13 =	simm.s32 $0x8100;
	s14 =	simm.s32 $0x8900;
	[dreg:$0xa] =	wrdreg s20  }
0xc: {  	s15 =	simm.s32 $0x9100;
	s28 =	simm.s32 $0xF100;
	[dreg:$0xb] =	wrdreg s21  }
0xd: {  	s29 =	simm.s32 $0xF900;
	s30 =	simm.s32 $0x1;
	[dreg:$0xc] =	wrdreg s22  }
0xe: {  	s31 =	simm.s32 $0x2;
	s2 =	sand.u32 $0x1, s2;
	[dreg:$0xd] =	wrdreg s24  }
0xf: {  	s6 =	sshll.u32 s0, $0x9;
	s7 =	sshll.u32 s2, $0x8;
	[dreg:$0xe] =	wrdreg s25  }
0x10: {  	s2 =	ssub.s32 $0x2, s2;
	[dreg:$0xf] =	wrdreg s26;
	s16 =	simm.s32 $0x9900  }
0x11: {  	s17 =	simm.s32 $0xA100;
	s18 =	simm.s32 $0xA900;
	s19 =	simm.s32 $0xB100  }
0x12: {  	s20 =	simm.s32 $0xB900;
	s21 =	simm.s32 $0xC100;
	s22 =	simm.s32 $0xC900  }
0x13: {  	s24 =	simm.s32 $0xD900;
	s25 =	simm.s32 $0xE100;
	s6 =	sor.u32 s7, s6  }
0x14: {  	s26 =	simm.s32 $0xE900;
	s23 =	sshrl.u32 s2, $0x1;
	s7 =	sshrl.u32 s6, $0x3  }
0x15: {  	s6 =	sshll.u32 s6, $0x5;
	s2 =	ssub.s32 s2, s23;
	s23 =	simm.s32 $0xD100  }
0x16: {  	v2 =	vlaneseq.u32;
	s7 =	sadd.s32 s4, s7;
	s4 =	sadd.s32 s5, s6;
	s6 =	simm.s32 $0x4  }
0x17: {  	vm0 =	vmmov $0xffff;
	v1 =	vshrl.u32 v2, $0x3;
	[dreg:$0x4] =	wrdreg s7;
	s5 =	sadd.s32 $0x1000, s4;
	s7 =	simm.s32 $0x100  }
0x18: {  	v0 =	vand.u32 $0x7, v2;
	v2 =	vor.u32 $0x8, v2;
	v1 =	vmul.u32 $0x8, v1;
	[dreg:$0x5] =	wrdreg s5;
	s5 =	smax.u32 s2, $0x1;
	s2 =	simm.s32 $0x3  }
.LBB2_1:
0x19: {  	s0 =	rddreg [dreg:$0x4]  }
0x1a: {  	[tilespmem:s3], [sflag:$0x4] =	stream.linear.gather [hbm4b:s0+s3], $0x100, $0x38;
	[tilespmem:$0x10100] =	vst v63  }
0x1b: {  	_ =	swait.ge [sflag:s6], $0x100  }
0x1c: {  	[sflag:s6] =	ssyncset.done $0x0  }
0x1d: {  	[sflag:s6] =	ssyncadd.s32 $0xFFFFFF00  }
0x1e: {  	v3 =	vld [tilespmem:$0x0];
	_ =	sdelay $0x4  }
0x1f: {  	v4 =	vshll.u32 v3, $0x1  }
0x20: {  	v3 =	vand.u32 $0x7, v3;
	v4 =	vand.u32 $0xFFFFFFF0, v4  }
0x21: {  	v3 =	vor.u32 v3, v4  }
0x22: {  	v4 =	vperm.xlane v3, v0;
	_ =	sdelay $0x1  }
0x23: {  	v3 =	vperm.xlane v3, v2;
	v4 =	vadd.s32 v1, v4;
	_ =	sdelay $0x1  }
0x24: {  	v3 =	vadd.s32 v1, v3;
	_ =	sdelay $0x2  }
0x25: {  	[tilespmem:s7], [sflag:$0x1] =	stream.indirect_vreg.gather [hbm4b:s1+s3], $0x80, v4, vm0, $0xb8;
	[tilespmem:$0x10100] =	vst v63  }
0x26: {  	s8 =	rddreg [dreg:$0x6]  }
0x27: {  	[tilespmem:s8], [sflag:$0x1] =	stream.indirect_vreg.gather [hbm4b:s1+s3], $0x80, v3, vm0, $0xb8;
	[tilespmem:$0x10100] =	vst v63  }
0x28: {  	v3 =	vld [tilespmem:$0x10];
	_ =	sdelay $0x4  }
0x29: {  	v49 =	vshll.u32 v3, $0x1  }
0x2a: {  	v3 =	vand.u32 $0x7, v3;
	v4 =	vand.u32 $0xFFFFFFF0, v49  }
0x2b: {  	v3 =	vor.u32 v3, v4  }
0x2c: {  	v4 =	vperm.xlane v3, v0;
	_ =	sdelay $0x1  }
0x2d: {  	v3 =	vperm.xlane v3, v2;
	v4 =	vadd.s32 v1, v4;
	_ =	sdelay $0x1  }
0x2e: {  	v3 =	vadd.s32 v1, v3;
	_ =	sdelay $0x1  }
0x2f: {  	s0 =	rddreg [dreg:$0x7]  }
0x30: {  	[tilespmem:s0], [sflag:$0x1] =	stream.indirect_vreg.gather [hbm4b:s1+s3], $0x80, v4, vm0, $0xb8;
	[tilespmem:$0x10100] =	vst v63  }
0x31: {  	s8 =	rddreg [dreg:$0x8]  }
0x32: {  	[tilespmem:s8], [sflag:$0x1] =	stream.indirect_vreg.gather [hbm4b:s1+s3], $0x80, v3, vm0, $0xb8;
	[tilespmem:$0x10100] =	vst v63  }
0x33: {  	v3 =	vld [tilespmem:$0x20];
	_ =	sdelay $0x4  }
0x34: {  	v50 =	vshll.u32 v3, $0x1  }
0x35: {  	v3 =	vand.u32 $0x7, v3;
	v4 =	vand.u32 $0xFFFFFFF0, v50  }
0x36: {  	v3 =	vor.u32 v3, v4  }
0x37: {  	v4 =	vperm.xlane v3, v0;
	_ =	sdelay $0x1  }
0x38: {  	v3 =	vperm.xlane v3, v2;
	v4 =	vadd.s32 v1, v4;
	_ =	sdelay $0x1  }
0x39: {  	v3 =	vadd.s32 v1, v3;
	_ =	sdelay $0x1  }
0x3a: {  	s0 =	rddreg [dreg:$0x9]  }
0x3b: {  	[tilespmem:s0], [sflag:$0x1] =	stream.indirect_vreg.gather [hbm4b:s1+s3], $0x80, v4, vm0, $0xb8;
	[tilespmem:$0x10100] =	vst v63  }
0x3c: {  	s8 =	rddreg [dreg:$0xa]  }
0x3d: {  	[tilespmem:s8], [sflag:$0x1] =	stream.indirect_vreg.gather [hbm4b:s1+s3], $0x80, v3, vm0, $0xb8;
	[tilespmem:$0x10100] =	vst v63  }
0x3e: {  	v3 =	vld [tilespmem:$0x30];
	_ =	sdelay $0x4  }
0x3f: {  	v51 =	vshll.u32 v3, $0x1  }
0x40: {  	v3 =	vand.u32 $0x7, v3;
	v4 =	vand.u32 $0xFFFFFFF0, v51  }
0x41: {  	v3 =	vor.u32 v3, v4  }
0x42: {  	v4 =	vperm.xlane v3, v0;
	_ =	sdelay $0x1  }
0x43: {  	v3 =	vperm.xlane v3, v2;
	v4 =	vadd.s32 v1, v4;
	_ =	sdelay $0x1  }
0x44: {  	v3 =	vadd.s32 v1, v3;
	_ =	sdelay $0x1  }
0x45: {  	s0 =	rddreg [dreg:$0xb]  }
0x46: {  	[tilespmem:s0], [sflag:$0x1] =	stream.indirect_vreg.gather [hbm4b:s1+s3], $0x80, v4, vm0, $0xb8;
	[tilespmem:$0x10100] =	vst v63  }
0x47: {  	s8 =	rddreg [dreg:$0xc]  }
0x48: {  	[tilespmem:s8], [sflag:$0x1] =	stream.indirect_vreg.gather [hbm4b:s1+s3], $0x80, v3, vm0, $0xb8;
	[tilespmem:$0x10100] =	vst v63  }
0x49: {  	v3 =	vld [tilespmem:$0x40];
	_ =	sdelay $0x4  }
0x4a: {  	v52 =	vshll.u32 v3, $0x1  }
0x4b: {  	v3 =	vand.u32 $0x7, v3;
	v4 =	vand.u32 $0xFFFFFFF0, v52  }
0x4c: {  	v3 =	vor.u32 v3, v4  }
0x4d: {  	v4 =	vperm.xlane v3, v0;
	_ =	sdelay $0x1  }
0x4e: {  	v3 =	vperm.xlane v3, v2;
	v4 =	vadd.s32 v1, v4;
	_ =	sdelay $0x1  }
0x4f: {  	v3 =	vadd.s32 v1, v3;
	_ =	sdelay $0x1  }
0x50: {  	s0 =	rddreg [dreg:$0xd]  }
0x51: {  	[tilespmem:s0], [sflag:$0x1] =	stream.indirect_vreg.gather [hbm4b:s1+s3], $0x80, v4, vm0, $0xb8;
	[tilespmem:$0x10100] =	vst v63  }
0x52: {  	s8 =	rddreg [dreg:$0xe]  }
0x53: {  	[tilespmem:s8], [sflag:$0x1] =	stream.indirect_vreg.gather [hbm4b:s1+s3], $0x80, v3, vm0, $0xb8;
	[tilespmem:$0x10100] =	vst v63  }
0x54: {  	v3 =	vld [tilespmem:$0x50];
	_ =	sdelay $0x4  }
0x55: {  	v53 =	vshll.u32 v3, $0x1  }
0x56: {  	v3 =	vand.u32 $0x7, v3;
	v4 =	vand.u32 $0xFFFFFFF0, v53  }
0x57: {  	v3 =	vor.u32 v3, v4  }
0x58: {  	v4 =	vperm.xlane v3, v0;
	_ =	sdelay $0x1  }
0x59: {  	v3 =	vperm.xlane v3, v2;
	v4 =	vadd.s32 v1, v4;
	_ =	sdelay $0x1  }
0x5a: {  	v3 =	vadd.s32 v1, v3;
	_ =	sdelay $0x1  }
0x5b: {  	s8 =	rddreg [dreg:$0xf]  }
0x5c: {  	[tilespmem:s8], [sflag:$0x1] =	stream.indirect_vreg.gather [hbm4b:s1+s3], $0x80, v4, vm0, $0xb8;
	[tilespmem:$0x10100] =	vst v63  }
0x5d: {  	s8 =	simm.s32 $0x5900  }
0x5e: {  	[tilespmem:s8], [sflag:$0x1] =	stream.indirect_vreg.gather [hbm4b:s1+s3], $0x80, v3, vm0, $0xb8;
	[tilespmem:$0x10100] =	vst v63  }
0x5f: {  	v3 =	vld [tilespmem:$0x60];
	_ =	sdelay $0x4  }
0x60: {  	v54 =	vshll.u32 v3, $0x1  }
0x61: {  	v3 =	vand.u32 $0x7, v3;
	v4 =	vand.u32 $0xFFFFFFF0, v54  }
0x62: {  	v3 =	vor.u32 v3, v4  }
0x63: {  	v4 =	vperm.xlane v3, v0;
	_ =	sdelay $0x1  }
0x64: {  	v3 =	vperm.xlane v3, v2;
	v4 =	vadd.s32 v1, v4;
	_ =	sdelay $0x1  }
0x65: {  	v3 =	vadd.s32 v1, v3;
	_ =	sdelay $0x2  }
0x66: {  	[tilespmem:s9], [sflag:$0x1] =	stream.indirect_vreg.gather [hbm4b:s1+s3], $0x80, v4, vm0, $0xb8;
	[tilespmem:$0x10100] =	vst v63  }
0x67: {  	_ = 	snop  }
0x68: {  	[tilespmem:s10], [sflag:$0x1] =	stream.indirect_vreg.gather [hbm4b:s1+s3], $0x80, v3, vm0, $0xb8;
	[tilespmem:$0x10100] =	vst v63  }
0x69: {  	v3 =	vld [tilespmem:$0x70];
	_ =	sdelay $0x4  }
0x6a: {  	v55 =	vshll.u32 v3, $0x1  }
0x6b: {  	v3 =	vand.u32 $0x7, v3;
	v4 =	vand.u32 $0xFFFFFFF0, v55  }
0x6c: {  	v3 =	vor.u32 v3, v4  }
0x6d: {  	v4 =	vperm.xlane v3, v0;
	_ =	sdelay $0x1  }
0x6e: {  	v3 =	vperm.xlane v3, v2;
	v4 =	vadd.s32 v1, v4;
	_ =	sdelay $0x1  }
0x6f: {  	v3 =	vadd.s32 v1, v3;
	_ =	sdelay $0x2  }
0x70: {  	[tilespmem:s11], [sflag:$0x1] =	stream.indirect_vreg.gather [hbm4b:s1+s3], $0x80, v4, vm0, $0xb8;
	[tilespmem:$0x10100] =	vst v63  }
0x71: {  	_ = 	snop  }
0x72: {  	[tilespmem:s12], [sflag:$0x1] =	stream.indirect_vreg.gather [hbm4b:s1+s3], $0x80, v3, vm0, $0xb8;
	[tilespmem:$0x10100] =	vst v63  }
0x73: {  	v3 =	vld [tilespmem:$0x80];
	_ =	sdelay $0x4  }
0x74: {  	v56 =	vshll.u32 v3, $0x1  }
0x75: {  	v3 =	vand.u32 $0x7, v3;
	v4 =	vand.u32 $0xFFFFFFF0, v56  }
0x76: {  	v3 =	vor.u32 v3, v4  }
0x77: {  	v4 =	vperm.xlane v3, v0;
	_ =	sdelay $0x1  }
0x78: {  	v3 =	vperm.xlane v3, v2;
	v4 =	vadd.s32 v1, v4;
	_ =	sdelay $0x1  }
0x79: {  	v3 =	vadd.s32 v1, v3;
	_ =	sdelay $0x2  }
0x7a: {  	[tilespmem:s13], [sflag:$0x2] =	stream.indirect_vreg.gather [hbm4b:s1+s3], $0x80, v4, vm0, $0xb8;
	[tilespmem:$0x10100] =	vst v63  }
0x7b: {  	_ = 	snop  }
0x7c: {  	[tilespmem:s14], [sflag:$0x2] =	stream.indirect_vreg.gather [hbm4b:s1+s3], $0x80, v3, vm0, $0xb8;
	[tilespmem:$0x10100] =	vst v63  }
0x7d: {  	v3 =	vld [tilespmem:$0x90];
	_ =	sdelay $0x4  }
0x7e: {  	v57 =	vshll.u32 v3, $0x1  }
0x7f: {  	v3 =	vand.u32 $0x7, v3;
	v4 =	vand.u32 $0xFFFFFFF0, v57  }
0x80: {  	v3 =	vor.u32 v3, v4  }
0x81: {  	v4 =	vperm.xlane v3, v0;
	_ =	sdelay $0x1  }
0x82: {  	v3 =	vperm.xlane v3, v2;
	v4 =	vadd.s32 v1, v4;
	_ =	sdelay $0x1  }
0x83: {  	v3 =	vadd.s32 v1, v3;
	_ =	sdelay $0x2  }
0x84: {  	[tilespmem:s15], [sflag:$0x2] =	stream.indirect_vreg.gather [hbm4b:s1+s3], $0x80, v4, vm0, $0xb8;
	[tilespmem:$0x10100] =	vst v63  }
0x85: {  	_ = 	snop  }
0x86: {  	[tilespmem:s16], [sflag:$0x2] =	stream.indirect_vreg.gather [hbm4b:s1+s3], $0x80, v3, vm0, $0xb8;
	[tilespmem:$0x10100] =	vst v63  }
0x87: {  	v3 =	vld [tilespmem:$0xA0];
	_ =	sdelay $0x4  }
0x88: {  	v58 =	vshll.u32 v3, $0x1  }
0x89: {  	v3 =	vand.u32 $0x7, v3;
	v4 =	vand.u32 $0xFFFFFFF0, v58  }
0x8a: {  	v3 =	vor.u32 v3, v4  }
0x8b: {  	v4 =	vperm.xlane v3, v0;
	_ =	sdelay $0x1  }
0x8c: {  	v3 =	vperm.xlane v3, v2;
	v4 =	vadd.s32 v1, v4;
	_ =	sdelay $0x1  }
0x8d: {  	v3 =	vadd.s32 v1, v3;
	_ =	sdelay $0x2  }
0x8e: {  	[tilespmem:s17], [sflag:$0x2] =	stream.indirect_vreg.gather [hbm4b:s1+s3], $0x80, v4, vm0, $0xb8;
	[tilespmem:$0x10100] =	vst v63  }
0x8f: {  	_ = 	snop  }
0x90: {  	[tilespmem:s18], [sflag:$0x2] =	stream.indirect_vreg.gather [hbm4b:s1+s3], $0x80, v3, vm0, $0xb8;
	[tilespmem:$0x10100] =	vst v63  }
0x91: {  	v3 =	vld [tilespmem:$0xB0];
	_ =	sdelay $0x4  }
0x92: {  	v59 =	vshll.u32 v3, $0x1  }
0x93: {  	v3 =	vand.u32 $0x7, v3;
	v4 =	vand.u32 $0xFFFFFFF0, v59  }
0x94: {  	v3 =	vor.u32 v3, v4  }
0x95: {  	v4 =	vperm.xlane v3, v0;
	_ =	sdelay $0x1  }
0x96: {  	v3 =	vperm.xlane v3, v2;
	v4 =	vadd.s32 v1, v4;
	_ =	sdelay $0x1  }
0x97: {  	v3 =	vadd.s32 v1, v3;
	_ =	sdelay $0x2  }
0x98: {  	[tilespmem:s19], [sflag:$0x2] =	stream.indirect_vreg.gather [hbm4b:s1+s3], $0x80, v4, vm0, $0xb8;
	[tilespmem:$0x10100] =	vst v63  }
0x99: {  	_ = 	snop  }
0x9a: {  	[tilespmem:s20], [sflag:$0x2] =	stream.indirect_vreg.gather [hbm4b:s1+s3], $0x80, v3, vm0, $0xb8;
	[tilespmem:$0x10100] =	vst v63  }
0x9b: {  	v3 =	vld [tilespmem:$0xC0];
	_ =	sdelay $0x4  }
0x9c: {  	v60 =	vshll.u32 v3, $0x1  }
0x9d: {  	v3 =	vand.u32 $0x7, v3;
	v4 =	vand.u32 $0xFFFFFFF0, v60  }
0x9e: {  	v3 =	vor.u32 v3, v4  }
0x9f: {  	v4 =	vperm.xlane v3, v0;
	_ =	sdelay $0x1  }
0xa0: {  	v3 =	vperm.xlane v3, v2;
	v4 =	vadd.s32 v1, v4;
	_ =	sdelay $0x1  }
0xa1: {  	v3 =	vadd.s32 v1, v3;
	_ =	sdelay $0x2  }
0xa2: {  	[tilespmem:s21], [sflag:$0x2] =	stream.indirect_vreg.gather [hbm4b:s1+s3], $0x80, v4, vm0, $0xb8;
	[tilespmem:$0x10100] =	vst v63  }
0xa3: {  	_ = 	snop  }
0xa4: {  	[tilespmem:s22], [sflag:$0x2] =	stream.indirect_vreg.gather [hbm4b:s1+s3], $0x80, v3, vm0, $0xb8;
	[tilespmem:$0x10100] =	vst v63  }
0xa5: {  	v3 =	vld [tilespmem:$0xD0];
	_ =	sdelay $0x4  }
0xa6: {  	v61 =	vshll.u32 v3, $0x1  }
0xa7: {  	v3 =	vand.u32 $0x7, v3;
	v4 =	vand.u32 $0xFFFFFFF0, v61  }
0xa8: {  	v3 =	vor.u32 v3, v4  }
0xa9: {  	v4 =	vperm.xlane v3, v0;
	_ =	sdelay $0x1  }
0xaa: {  	v3 =	vperm.xlane v3, v2;
	v4 =	vadd.s32 v1, v4;
	_ =	sdelay $0x1  }
0xab: {  	v3 =	vadd.s32 v1, v3;
	_ =	sdelay $0x2  }
0xac: {  	[tilespmem:s23], [sflag:$0x2] =	stream.indirect_vreg.gather [hbm4b:s1+s3], $0x80, v4, vm0, $0xb8;
	[tilespmem:$0x10100] =	vst v63  }
0xad: {  	_ = 	snop  }
0xae: {  	[tilespmem:s24], [sflag:$0x2] =	stream.indirect_vreg.gather [hbm4b:s1+s3], $0x80, v3, vm0, $0xb8;
	[tilespmem:$0x10100] =	vst v63  }
0xaf: {  	v3 =	vld [tilespmem:$0xE0];
	_ =	sdelay $0x4  }
0xb0: {  	v62 =	vshll.u32 v3, $0x1  }
0xb1: {  	v3 =	vand.u32 $0x7, v3;
	v4 =	vand.u32 $0xFFFFFFF0, v62  }
0xb2: {  	v3 =	vor.u32 v3, v4  }
0xb3: {  	v4 =	vperm.xlane v3, v0;
	_ =	sdelay $0x1  }
0xb4: {  	v3 =	vperm.xlane v3, v2;
	v4 =	vadd.s32 v1, v4;
	_ =	sdelay $0x1  }
0xb5: {  	v3 =	vadd.s32 v1, v3;
	_ =	sdelay $0x2  }
0xb6: {  	[tilespmem:s25], [sflag:$0x2] =	stream.indirect_vreg.gather [hbm4b:s1+s3], $0x80, v4, vm0, $0xb8;
	[tilespmem:$0x10100] =	vst v63  }
0xb7: {  	_ = 	snop  }
0xb8: {  	[tilespmem:s26], [sflag:$0x2] =	stream.indirect_vreg.gather [hbm4b:s1+s3], $0x80, v3, vm0, $0xb8;
	[tilespmem:$0x10100] =	vst v63  }
0xb9: {  	v3 =	vld [tilespmem:$0xF0];
	_ =	sdelay $0x4  }
0xba: {  	v63 =	vshll.u32 v3, $0x1  }
0xbb: {  	v3 =	vand.u32 $0x7, v3;
	v4 =	vand.u32 $0xFFFFFFF0, v63  }
0xbc: {  	v3 =	vor.u32 v3, v4  }
0xbd: {  	v4 =	vperm.xlane v3, v0;
	_ =	sdelay $0x1  }
0xbe: {  	v3 =	vperm.xlane v3, v2;
	v4 =	vadd.s32 v1, v4;
	_ =	sdelay $0x1  }
0xbf: {  	v3 =	vadd.s32 v1, v3;
	_ =	sdelay $0x2  }
0xc0: {  	[tilespmem:s28], [sflag:$0x2] =	stream.indirect_vreg.gather [hbm4b:s1+s3], $0x80, v4, vm0, $0xb8;
	[tilespmem:$0x10100] =	vst v63  }
0xc1: {  	_ = 	snop  }
0xc2: {  	[tilespmem:s29], [sflag:$0x2] =	stream.indirect_vreg.gather [hbm4b:s1+s3], $0x80, v3, vm0, $0xb8;
	[tilespmem:$0x10100] =	vst v63  }
0xc3: {  	_ =	swait.ge [sflag:s30], $0x8000  }
0xc4: {  	[sflag:s30] =	ssyncset.done $0x0  }
0xc5: {  	[sflag:s30] =	ssyncadd.s32 $0xFFFF8000  }
0xc6: {  	[hbm4b:s4+s3] =	stream.linear.scatter [tilespmem:s7], [sflag:$0x3], $0x8000, $0x38;
	[tilespmem:$0x10100] =	vst v63  }
0xc7: {  	_ =	swait.ge [sflag:s31], $0x8000  }
0xc8: {  	[sflag:s31] =	ssyncset.done $0x0  }
0xc9: {  	s8 =	rddreg [dreg:$0x5];
	[sflag:s31] =	ssyncadd.s32 $0xFFFF8000  }
0xca: {  	[hbm4b:s8+s3] =	stream.linear.scatter [tilespmem:s13], [sflag:$0x3], $0x8000, $0x38;
	[tilespmem:$0x10100] =	vst v63  }
0xcb: {  	p0 =	sne.s32 s5, $0x1;
	_ =	swait.ge [sflag:s2], $0x8000  }
.Ltmp0:
0xcc: {  	[sflag:s2] =	ssyncset.done $0x0;
	(pc) =	sbr.rel @p0 .LBB2_1-.Ltmp0, $4  }
0xcd: {  	[sflag:s2] =	ssyncadd.s32 $0xFFFF8000  }
0xce: {  	_ =	swait.ge [sflag:s2], $0x8000  }
0xcf: {  	[sflag:s2] =	ssyncset.done $0x0  }
0xd0: {  	s5 =	sadd.s32 $0xFFFFFFFF, s5;
	[sflag:s2] =	ssyncadd.s32 $0xFFFF8000  }
0xd1: {  	_ =	sfence.sel $0x180000  }
0xd2: {  	[bflag:$0x0] =	sbarrier.arrive $0xFFFF  }
0xd3: {  	_ =	strace $0x90000047  }
0xd4: {  	s0 =	stileid.u32;
	[bflag:$0x2] =	sbarrier.arrive $0xFFFF  }
0xd5: {  	p0 =	sne.s32 s0, $0x0;
	s0 =	rddreg [dreg:$0x3]  }
0xd6: {  	s0 =	sadd.s32 @!p0 $0x100000, s0  }
0xd7: {  	[sflag:s0] =	ssyncadd.tile.s32 @!p0 $0x1;
	_ =	shalt  }
.Lfunc_end2:
_tile_overlayer_lowered:
.L_overlay_start_2:
0xd8: {  	(tag) =	ssettag $0x2  }
0xd9: {  	s0 =	rddreg [dreg:$0x0];
	s2 =	stileid.u32  }
0xda: {  	s1 =	rddreg [dreg:$0x1];
	p0 =	sne.s32 s2, $0x0  }
0xdb: {  	s3 =	rddreg [dreg:$0x2];
	[bflag:$0x3] =	sbarrier.arrive $0xFFFF;
	s2 =	simm.s32 @!p0 $0x1C04  }
0xdc: {  	[timem:s3], [sflag:s2] =	dma.local @!p0 [hbm:s0], s1  }
0xdd: {  	s0 =	simm.s32 @!p0 $0x4  }
0xde: {  	_ =	swait.ge @!p0 [sflag:s0], s1  }
0xdf: {  	s1 =	ssub.s32 @!p0 $0x0, s1;
	[sflag:s0] =	ssyncset.done @!p0 $0x0  }
0xe0: {  	[sflag:s0] =	ssyncadd.s32 @!p0 s1  }
0xe1: {  	[bflag:$0x3] =	sbarrier.arrive $0xFFFF  }
0xe2: {  	_ =	shalt  }

</sc_bundles>
